<compile_context>
chip_gen: v7x
topology: tpu7x:2x2x1
jax: 0.10.2.dev20260603
libtpu: 0.0.44.dev20260713+nightly
codegen_flags: <defaults>
</compile_context>

<pallas_src>
import functools

import jax
import jax.numpy as jnp
from jax import lax
from jax.experimental import pallas as pl
from jax.experimental.pallas import tpu as pltpu
from jax.experimental.pallas import tpu_sc as plsc

_B, _N, _F_ATOM, _F_PHYS = 1024, 100, 38, 3
_F_TOT = _F_ATOM + _F_PHYS
_NC, _NS = 2, 16
_NW = _NC * _NS
_MPW = _B // _NW


_G = 4
_NBUF = 2
_NGRP = _MPW // _G


def _sc_sum_body(x_hbm, out_hbm, b0, b1, outv, s0, s1):
    wid = lax.axis_index("s") * _NC + lax.axis_index("c")
    base = wid * _MPW
    bufs = (b0, b1)
    sems = (s0, s1)

    def start(g):
        return pltpu.async_copy(x_hbm.at[pl.ds(base + g * _G, _G)],
                                bufs[g % _NBUF], sems[g % _NBUF])

    if True:
        pltpu.sync_copy(outv, out_hbm.at[pl.ds(base, _MPW)])
        return
    copies = [start(g) for g in range(_NBUF)]
    zero = jnp.zeros((16,), jnp.float32)
    lane = lax.iota(jnp.int32, 16)
    keep = lane >= 7
    for g in range(_NGRP):
        copies[g % _NBUF].wait()
        buf = bufs[g % _NBUF]
        for m in range(_G):
            j = g * _G + m

            def body(n, accs, buf=buf, m=m):
                a0, a1, a2 = accs
                v2 = jnp.where(keep, buf[m, n, 25:41], 0.0)
                return (a0 + buf[m, n, 0:16], a1 + buf[m, n, 16:32], a2 + v2)

            a0, a1, a2 = lax.fori_loop(0, _N, body, (zero, zero, zero))
            outv[j, 0:16] = a0
            outv[j, 16:32] = a1
            outv[j, 32:48] = a2
            outv[j, 48:64] = buf[m, 0, 25:41]
        if g + _NBUF < _NGRP:
            copies[g % _NBUF] = start(g + _NBUF)
    pltpu.sync_copy(outv, out_hbm.at[pl.ds(base, _MPW)])


def _sc_sums(inputs):
    return pl.kernel(
        _sc_sum_body,
        out_type=jax.ShapeDtypeStruct((_B, 128), jnp.float32),
        mesh=plsc.VectorSubcoreMesh(core_axis_name="c", subcore_axis_name="s"),
        scratch_types=[
            pltpu.VMEM((_G, _N, _F_TOT), jnp.float32),
            pltpu.VMEM((_G, _N, _F_TOT), jnp.float32),
            pltpu.VMEM((_MPW, 128), jnp.float32),
            pltpu.SemaphoreType.DMA,
            pltpu.SemaphoreType.DMA,
        ],
    )(inputs)


def _head_kernel(s_ref, Wr_ref, br_ref, Wc_ref, bc_ref, W1_ref, b1_ref,
                 W5_ref, b5_ref, W6_ref, b6_ref, W7h_ref, W7p_ref, b7_ref,
                 out_ref):
    s = s_ref[...]
    xb = jnp.concatenate([s[:, 0:32], s[:, 39:45]], axis=1) * (1.0 / _N)
    phys = s[:, 61:64]
    h = jax.nn.relu(jnp.dot(xb, Wr_ref[...], preferred_element_type=jnp.float32)
                    + br_ref[...])
    g = jax.nn.relu(jnp.dot(h, Wc_ref[...], preferred_element_type=jnp.float32)
                    + bc_ref[...]) * float(_N)
    d1 = jax.nn.relu(jnp.dot(g, W1_ref[...], preferred_element_type=jnp.float32)
                     + b1_ref[...])
    d5 = jnp.dot(d1, W5_ref[...], preferred_element_type=jnp.float32) + b5_ref[...]
    mv = jnp.dot(d5, W6_ref[...], preferred_element_type=jnp.float32) + b6_ref[...]
    out = mv * W7h_ref[0, 0] + jnp.dot(phys, W7p_ref[...],
                                       preferred_element_type=jnp.float32)
    out_ref[...] = out + b7_ref[...]


def kernel(inputs, W_rule, b_rule, W_conv, b_conv, W1, b1, W5, b5, W6, b6,
           W7, b7):
    B = inputs.shape[0]
    R = W_rule.shape[1]
    sums = _sc_sums(inputs)

    out = pl.pallas_call(
        _head_kernel,
        grid=(1,),
        in_specs=[
            pl.BlockSpec((B, 128), lambda i: (0, 0)),
            pl.BlockSpec(W_rule.shape, lambda i: (0, 0)),
            pl.BlockSpec((1, R), lambda i: (0, 0)),
            pl.BlockSpec(W_conv.shape, lambda i: (0, 0)),
            pl.BlockSpec((1, W_conv.shape[1]), lambda i: (0, 0)),
            pl.BlockSpec(W1.shape, lambda i: (0, 0)),
            pl.BlockSpec((1, W1.shape[1]), lambda i: (0, 0)),
            pl.BlockSpec(W5.shape, lambda i: (0, 0)),
            pl.BlockSpec((1, W5.shape[1]), lambda i: (0, 0)),
            pl.BlockSpec(W6.shape, lambda i: (0, 0)),
            pl.BlockSpec((1, 1), lambda i: (0, 0)),
            pl.BlockSpec((1, 1), lambda i: (0, 0)),
            pl.BlockSpec((_F_PHYS, 1), lambda i: (0, 0)),
            pl.BlockSpec((1, 1), lambda i: (0, 0)),
        ],
        out_specs=pl.BlockSpec((B, 1), lambda i: (0, 0)),
        out_shape=jax.ShapeDtypeStruct((B, 1), jnp.float32),
    )(sums, W_rule, b_rule.reshape(1, -1), W_conv, b_conv.reshape(1, -1),
      W1, b1.reshape(1, -1), W5, b5.reshape(1, -1), W6, b6.reshape(1, -1),
      W7[0:1, :], W7[1:4, :], b7.reshape(1, -1))
    return out

# --- scband reference (transcript-rebuilt; emitter-appended) ---
"""Pipeline reference for scband-pggcnmodel-42314017800787 (READ-ONLY COPY).

The authoritative reference and input builder live on the scoring server;
editing this copy changes nothing except your own understanding.
"""

import jax, jax.numpy as jnp
import numpy as np

B, N, F_ATOM, F_PHYS = 1024, 100, 38, 3
R_OUT, C_OUT = 20, 128

def setup_inputs(seed: int = 0) -> dict:
    key = jax.random.key(seed)
    ks = jax.random.split(key, 12)
    inputs = jax.random.normal(ks[0], (B, N, F_ATOM + F_PHYS), dtype=jnp.float32)
    W_rule = jax.random.normal(ks[1], (F_ATOM, R_OUT), dtype=jnp.float32) * 0.1
    b_rule = jnp.zeros((R_OUT,), dtype=jnp.float32)
    W_conv = jax.random.normal(ks[2], (R_OUT, C_OUT), dtype=jnp.float32) * 0.1
    b_conv = jnp.zeros((C_OUT,), dtype=jnp.float32)
    W1 = jax.random.normal(ks[3], (C_OUT, 32), dtype=jnp.float32) * 0.1
    b1 = jnp.zeros((32,), dtype=jnp.float32)
    W5 = jax.random.normal(ks[4], (32, 16), dtype=jnp.float32) * 0.1
    b5 = jnp.zeros((16,), dtype=jnp.float32)
    W6 = jax.random.normal(ks[5], (16, 1), dtype=jnp.float32) * 0.1
    b6 = jnp.zeros((1,), dtype=jnp.float32)
    W7 = jnp.array([[-0.3], [-1.0], [1.0], [1.0]], dtype=jnp.float32)
    b7 = jnp.zeros((1,), dtype=jnp.float32)
    return {"inputs": inputs, "W_rule": W_rule, "b_rule": b_rule, "W_conv": W_conv,
            "b_conv": b_conv, "W1": W1, "b1": b1, "W5": W5, "b5": b5,
            "W6": W6, "b6": b6, "W7": W7, "b7": b7}

def reference(inputs, W_rule, b_rule, W_conv, b_conv, W1, b1, W5, b5, W6, b6, W7, b7):
    # physics_info = inputs[:, 0, 38:]
    physics_info = inputs[:, 0, F_ATOM:]
    # x_a: per-molecule atom feature blocks (all molecules use full N atoms here)
    x = inputs[:, :, :F_ATOM]
    # RuleGraphConvLayer (combination_rules == []): linear transform + mean
    # aggregation over the dense intra-molecule adjacency, then ReLU
    h = jnp.einsum('bnf,fo->bno', x, W_rule) + b_rule
    A = jnp.ones((N, N), dtype=jnp.float32) / N
    h = jax.nn.relu(jnp.einsum('mn,bno->bmo', A, h))
    # ConvLayer: per-atom dense -> ReLU -> sum-pool atoms to graph embedding
    h2 = jax.nn.relu(jnp.einsum('bno,oc->bnc', h, W_conv) + b_conv)
    g = jnp.sum(h2, axis=1)
    d1 = jax.nn.relu(g @ W1 + b1)
    d5 = d1 @ W5 + b5
    model_var = d5 @ W6 + b6
    merged = jnp.concatenate([model_var, physics_info], axis=1)
    out = merged @ W7 + b7
    return out

if __name__ == "__main__":
    import jax
    _d = setup_inputs()
    print(jax.jit(kernel)(*tuple(_d.values())))

</pallas_src>

<mosaic_0001>
#map = affine_map<(d0, d1) -> (0, 0, 0)>
#map1 = affine_map<(d0, d1) -> (0, 0)>
module attributes {stable_mosaic.version = 14 : i64} {
  func.func @_sc_sum_body(%arg0: i32, %arg1: i32, %arg2: memref<1024x100x41xf32, #tpu.memory_space<hbm>>, %arg3: memref<1024x128xf32, #tpu.memory_space<hbm>>, %arg4: memref<4x100x41xf32, #tpu.memory_space<vmem>>, %arg5: memref<4x100x41xf32, #tpu.memory_space<vmem>>, %arg6: memref<32x128xf32, #tpu.memory_space<vmem>>, %arg7: memref<!tpu.dma_semaphore, #tpu.memory_space<semaphore_mem>>, %arg8: memref<!tpu.dma_semaphore, #tpu.memory_space<semaphore_mem>>) attributes {dimension_semantics = [#tpu.dimension_semantics<core_parallel>, #tpu.dimension_semantics<subcore_parallel>], iteration_bounds = array<i64: 2, 16>, scalar_prefetch = 0 : i64, scratch_operands = 5 : i64, tpu.core_type = #tpu.core_type<sc_vector_subcore>, window_params = [{transform_indices = #map}, {transform_indices = #map1}]} {
    %mul3A = arith.constant 2 : i32
    %mul3A_0 = arith.muli %arg1, %mul3A : i32
    %add3A = arith.addi %mul3A_0, %arg0 : i32
    %mul3A_1 = arith.constant 32 : i32
    %mul3A_2 = arith.muli %add3A, %mul3A_1 : i32
    "tpu.region"() ({
      %run_scoped3A = tpu.sem_alloc : memref<!tpu.dma_semaphore, #tpu.memory_space<semaphore_mem>>
      %dma_start3A = arith.constant 0 : i32
      %dma_start3A_3 = tpu.memref_slice %arg3[%mul3A_2, %dma_start3A] : memref<1024x128xf32, #tpu.memory_space<hbm>> -> memref<32x128xf32, #tpu.memory_space<hbm>>
      %dma_start3A_4 = arith.constant 0 : i32
      %dma_start3A_5 = tpu.memref_slice %arg3[%mul3A_2, %dma_start3A_4] : memref<1024x128xf32, #tpu.memory_space<hbm>> -> memref<32x128xf32, #tpu.memory_space<hbm>>
      tpu.enqueue_dma source(%arg6 : memref<32x128xf32, #tpu.memory_space<vmem>>) target(%dma_start3A_5 : memref<32x128xf32, #tpu.memory_space<hbm>>) target_semaphore(%run_scoped3A : memref<!tpu.dma_semaphore, #tpu.memory_space<semaphore_mem>>)
      %dma_wait3A = arith.constant 0 : i32
      %dma_wait3A_6 = tpu.memref_slice %arg3[%mul3A_2, %dma_wait3A] : memref<1024x128xf32, #tpu.memory_space<hbm>> -> memref<32x128xf32, #tpu.memory_space<hbm>>
      %dma_wait3A_7 = arith.constant 0 : i32
      %dma_wait3A_8 = tpu.memref_slice %arg3[%mul3A_2, %dma_wait3A_7] : memref<1024x128xf32, #tpu.memory_space<hbm>> -> memref<32x128xf32, #tpu.memory_space<hbm>>
      tpu.wait_dma2 semaphore(%run_scoped3A : memref<!tpu.dma_semaphore, #tpu.memory_space<semaphore_mem>>) src(%arg6 : memref<32x128xf32, #tpu.memory_space<vmem>>) dst(%dma_wait3A_8 : memref<32x128xf32, #tpu.memory_space<hbm>>)
      tpu.yield
    }) : () -> ()
    return
  }
}

module attributes {stable_mosaic.version = 14 : i64} {
  func.func @_head_kernel(%arg0: i32, %arg1: memref<1024x128xf32, #tpu.memory_space<vmem>>, %arg2: memref<38x20xf32, #tpu.memory_space<vmem>>, %arg3: memref<1x20xf32, #tpu.memory_space<vmem>>, %arg4: memref<20x128xf32, #tpu.memory_space<vmem>>, %arg5: memref<1x128xf32, #tpu.memory_space<vmem>>, %arg6: memref<128x32xf32, #tpu.memory_space<vmem>>, %arg7: memref<1x32xf32, #tpu.memory_space<vmem>>, %arg8: memref<32x16xf32, #tpu.memory_space<vmem>>, %arg9: memref<1x16xf32, #tpu.memory_space<vmem>>, %arg10: memref<16x1xf32, #tpu.memory_space<vmem>>, %arg11: memref<1x1xf32, #tpu.memory_space<vmem>>, %arg12: memref<1x1xf32, #tpu.memory_space<vmem>>, %arg13: memref<3x1xf32, #tpu.memory_space<vmem>>, %arg14: memref<1x1xf32, #tpu.memory_space<vmem>>, %arg15: memref<1024x1xf32, #tpu.memory_space<vmem>>) attributes {dimension_semantics = [#tpu.dimension_semantics<arbitrary>], iteration_bounds = array<i64: 1>, scalar_prefetch = 0 : i64, scratch_operands = 0 : i64, tpu.core_type = #tpu.core_type<tc>, window_params = [{pipeline_mode = #tpu.pipeline_mode<synchronous>, transform_indices = @transform_0, window_bounds = array<i64: 1024, 128>}, {pipeline_mode = #tpu.pipeline_mode<synchronous>, transform_indices = @transform_1, window_bounds = array<i64: 38, 20>}, {pipeline_mode = #tpu.pipeline_mode<synchronous>, transform_indices = @transform_2, window_bounds = array<i64: 1, 20>}, {pipeline_mode = #tpu.pipeline_mode<synchronous>, transform_indices = @transform_3, window_bounds = array<i64: 20, 128>}, {pipeline_mode = #tpu.pipeline_mode<synchronous>, transform_indices = @transform_4, window_bounds = array<i64: 1, 128>}, {pipeline_mode = #tpu.pipeline_mode<synchronous>, transform_indices = @transform_5, window_bounds = array<i64: 128, 32>}, {pipeline_mode = #tpu.pipeline_mode<synchronous>, transform_indices = @transform_6, window_bounds = array<i64: 1, 32>}, {pipeline_mode = #tpu.pipeline_mode<synchronous>, transform_indices = @transform_7, window_bounds = array<i64: 32, 16>}, {pipeline_mode = #tpu.pipeline_mode<synchronous>, transform_indices = @transform_8, window_bounds = array<i64: 1, 16>}, {pipeline_mode = #tpu.pipeline_mode<synchronous>, transform_indices = @transform_9, window_bounds = array<i64: 16, 1>}, {pipeline_mode = #tpu.pipeline_mode<synchronous>, transform_indices = @transform_10, window_bounds = array<i64: 1, 1>}, {pipeline_mode = #tpu.pipeline_mode<synchronous>, transform_indices = @transform_11, window_bounds = array<i64: 1, 1>}, {pipeline_mode = #tpu.pipeline_mode<synchronous>, transform_indices = @transform_12, window_bounds = array<i64: 3, 1>}, {pipeline_mode = #tpu.pipeline_mode<synchronous>, transform_indices = @transform_13, window_bounds = array<i64: 1, 1>}, {pipeline_mode = #tpu.pipeline_mode<synchronous>, transform_indices = @transform_14, window_bounds = array<i64: 1024, 1>}]} {
    %get3A = arith.constant 0 : index
    %get3A_0 = arith.constant 0 : index
    %get3A_1 = vector.load %arg1[%get3A, %get3A_0] : memref<1024x128xf32, #tpu.memory_space<vmem>>, vector<1024x128xf32>
    %slice3A = vector.extract_strided_slice %get3A_1 {offsets = [0, 0], sizes = [1024, 32], strides = [1, 1]} : vector<1024x128xf32> to vector<1024x32xf32>
    %slice3A_2 = vector.extract_strided_slice %get3A_1 {offsets = [0, 39], sizes = [1024, 6], strides = [1, 1]} : vector<1024x128xf32> to vector<1024x6xf32>
    %concatenate3A = tpu.concatenate %slice3A, %slice3A_2 in 1 : vector<1024x32xf32>, vector<1024x6xf32> -> vector<1024x38xf32>
    %mul3A = arith.constant 0.00999999977 : f32
    %mul3A_3 = vector.broadcast %mul3A : f32 to vector<1024x38xf32>
    %mul3A_4 = arith.mulf %concatenate3A, %mul3A_3 : vector<1024x38xf32>
    %slice3A_5 = vector.extract_strided_slice %get3A_1 {offsets = [0, 61], sizes = [1024, 3], strides = [1, 1]} : vector<1024x128xf32> to vector<1024x3xf32>
    %get3A_6 = arith.constant 0 : index
    %get3A_7 = arith.constant 0 : index
    %get3A_8 = vector.load %arg2[%get3A_6, %get3A_7] : memref<38x20xf32, #tpu.memory_space<vmem>>, vector<38x20xf32>
    %dot_general3A = arith.constant dense<0.000000e+00> : vector<1024x20xf32>
    %dot_general3A_9 = tpu.matmul %mul3A_4, %get3A_8, %dot_general3A {dimension_numbers = #tpu.dot_dimension_numbers<[1], [0], [0], [1], [0, 0, 1, 1], [], []>, transpose_lhs_hint = false} : vector<1024x38xf32>, vector<38x20xf32>, vector<1024x20xf32> -> vector<1024x20xf32>
    %get3A_10 = arith.constant 0 : index
    %get3A_11 = arith.constant 0 : index
    %get3A_12 = vector.load %arg3[%get3A_10, %get3A_11] : memref<1x20xf32, #tpu.memory_space<vmem>>, vector<1x20xf32>
    %add3A = vector.broadcast %get3A_12 : vector<1x20xf32> to vector<1024x20xf32>
    %add3A_13 = arith.addf %dot_general3A_9, %add3A : vector<1024x20xf32>
    %max3A = arith.constant 0.000000e+00 : f32
    %max3A_14 = vector.broadcast %max3A : f32 to vector<1024x20xf32>
    %max3A_15 = arith.maximumf %add3A_13, %max3A_14 : vector<1024x20xf32>
    %get3A_16 = arith.constant 0 : index
    %get3A_17 = arith.constant 0 : index
    %get3A_18 = vector.load %arg4[%get3A_16, %get3A_17] : memref<20x128xf32, #tpu.memory_space<vmem>>, vector<20x128xf32>
    %dot_general3A_19 = arith.constant dense<0.000000e+00> : vector<1024x128xf32>
    %dot_general3A_20 = tpu.matmul %max3A_15, %get3A_18, %dot_general3A_19 {dimension_numbers = #tpu.dot_dimension_numbers<[1], [0], [0], [1], [0, 0, 1, 1], [], []>, transpose_lhs_hint = false} : vector<1024x20xf32>, vector<20x128xf32>, vector<1024x128xf32> -> vector<1024x128xf32>
    %get3A_21 = arith.constant 0 : index
    %get3A_22 = arith.constant 0 : index
    %get3A_23 = vector.load %arg5[%get3A_21, %get3A_22] : memref<1x128xf32, #tpu.memory_space<vmem>>, vector<1x128xf32>
    %add3A_24 = vector.broadcast %get3A_23 : vector<1x128xf32> to vector<1024x128xf32>
    %add3A_25 = arith.addf %dot_general3A_20, %add3A_24 : vector<1024x128xf32>
    %max3A_26 = arith.constant 0.000000e+00 : f32
    %max3A_27 = vector.broadcast %max3A_26 : f32 to vector<1024x128xf32>
    %max3A_28 = arith.maximumf %add3A_25, %max3A_27 : vector<1024x128xf32>
    %mul3A_29 = arith.constant 1.000000e+02 : f32
    %mul3A_30 = vector.broadcast %mul3A_29 : f32 to vector<1024x128xf32>
    %mul3A_31 = arith.mulf %max3A_28, %mul3A_30 : vector<1024x128xf32>
    %get3A_32 = arith.constant 0 : index
    %get3A_33 = arith.constant 0 : index
    %get3A_34 = vector.load %arg6[%get3A_32, %get3A_33] : memref<128x32xf32, #tpu.memory_space<vmem>>, vector<128x32xf32>
    %dot_general3A_35 = arith.constant dense<0.000000e+00> : vector<1024x32xf32>
    %dot_general3A_36 = tpu.matmul %mul3A_31, %get3A_34, %dot_general3A_35 {dimension_numbers = #tpu.dot_dimension_numbers<[1], [0], [0], [1], [0, 0, 1, 1], [], []>, transpose_lhs_hint = false} : vector<1024x128xf32>, vector<128x32xf32>, vector<1024x32xf32> -> vector<1024x32xf32>
    %get3A_37 = arith.constant 0 : index
    %get3A_38 = arith.constant 0 : index
    %get3A_39 = vector.load %arg7[%get3A_37, %get3A_38] : memref<1x32xf32, #tpu.memory_space<vmem>>, vector<1x32xf32>
    %add3A_40 = vector.broadcast %get3A_39 : vector<1x32xf32> to vector<1024x32xf32>
    %add3A_41 = arith.addf %dot_general3A_36, %add3A_40 : vector<1024x32xf32>
    %max3A_42 = arith.constant 0.000000e+00 : f32
    %max3A_43 = vector.broadcast %max3A_42 : f32 to vector<1024x32xf32>
    %max3A_44 = arith.maximumf %add3A_41, %max3A_43 : vector<1024x32xf32>
    %get3A_45 = arith.constant 0 : index
    %get3A_46 = arith.constant 0 : index
    %get3A_47 = vector.load %arg8[%get3A_45, %get3A_46] : memref<32x16xf32, #tpu.memory_space<vmem>>, vector<32x16xf32>
    %dot_general3A_48 = arith.constant dense<0.000000e+00> : vector<1024x16xf32>
    %dot_general3A_49 = tpu.matmul %max3A_44, %get3A_47, %dot_general3A_48 {dimension_numbers = #tpu.dot_dimension_numbers<[1], [0], [0], [1], [0, 0, 1, 1], [], []>, transpose_lhs_hint = false} : vector<1024x32xf32>, vector<32x16xf32>, vector<1024x16xf32> -> vector<1024x16xf32>
    %get3A_50 = arith.constant 0 : index
    %get3A_51 = arith.constant 0 : index
    %get3A_52 = vector.load %arg9[%get3A_50, %get3A_51] : memref<1x16xf32, #tpu.memory_space<vmem>>, vector<1x16xf32>
    %add3A_53 = vector.broadcast %get3A_52 : vector<1x16xf32> to vector<1024x16xf32>
    %add3A_54 = arith.addf %dot_general3A_49, %add3A_53 : vector<1024x16xf32>
    %get3A_55 = arith.constant 0 : index
    %get3A_56 = arith.constant 0 : index
    %get3A_57 = vector.load %arg10[%get3A_55, %get3A_56] : memref<16x1xf32, #tpu.memory_space<vmem>>, vector<16x1xf32>
    %dot_general3A_58 = arith.constant dense<0.000000e+00> : vector<1024x1xf32>
    %dot_general3A_59 = tpu.matmul %add3A_54, %get3A_57, %dot_general3A_58 {dimension_numbers = #tpu.dot_dimension_numbers<[1], [0], [0], [1], [0, 0, 1, 1], [], []>, transpose_lhs_hint = false} : vector<1024x16xf32>, vector<16x1xf32>, vector<1024x1xf32> -> vector<1024x1xf32>
    %get3A_60 = arith.constant 0 : index
    %get3A_61 = arith.constant 0 : index
    %get3A_62 = vector.load %arg11[%get3A_60, %get3A_61] : memref<1x1xf32, #tpu.memory_space<vmem>>, vector<1x1xf32>
    %add3A_63 = vector.broadcast %get3A_62 : vector<1x1xf32> to vector<1024x1xf32>
    %add3A_64 = arith.addf %dot_general3A_59, %add3A_63 : vector<1024x1xf32>
    %get3A_65 = arith.constant 0 : index
    %get3A_66 = arith.constant 0 : index
    %get3A_67 = vector.load %arg12[%get3A_65, %get3A_66] : memref<1x1xf32, #tpu.memory_space<vmem>>, vector<1x1xf32>
    %get3A_68 = vector.extract %get3A_67[0, 0] : f32 from vector<1x1xf32>
    %mul3A_69 = vector.broadcast %get3A_68 : f32 to vector<1024x1xf32>
    %mul3A_70 = arith.mulf %add3A_64, %mul3A_69 : vector<1024x1xf32>
    %get3A_71 = arith.constant 0 : index
    %get3A_72 = arith.constant 0 : index
    %get3A_73 = vector.load %arg13[%get3A_71, %get3A_72] : memref<3x1xf32, #tpu.memory_space<vmem>>, vector<3x1xf32>
    %dot_general3A_74 = arith.constant dense<0.000000e+00> : vector<1024x1xf32>
    %dot_general3A_75 = tpu.matmul %slice3A_5, %get3A_73, %dot_general3A_74 {dimension_numbers = #tpu.dot_dimension_numbers<[1], [0], [0], [1], [0, 0, 1, 1], [], []>, transpose_lhs_hint = false} : vector<1024x3xf32>, vector<3x1xf32>, vector<1024x1xf32> -> vector<1024x1xf32>
    %add3A_76 = arith.addf %mul3A_70, %dot_general3A_75 : vector<1024x1xf32>
    %get3A_77 = arith.constant 0 : index
    %get3A_78 = arith.constant 0 : index
    %get3A_79 = vector.load %arg14[%get3A_77, %get3A_78] : memref<1x1xf32, #tpu.memory_space<vmem>>, vector<1x1xf32>
    %add3A_80 = vector.broadcast %get3A_79 : vector<1x1xf32> to vector<1024x1xf32>
    %add3A_81 = arith.addf %add3A_76, %add3A_80 : vector<1024x1xf32>
    %swap3A = arith.constant 0 : index
    %swap3A_82 = arith.constant 0 : index
    %swap3A_83 = vector.load %arg15[%swap3A, %swap3A_82] : memref<1024x1xf32, #tpu.memory_space<vmem>>, vector<1024x1xf32>
    tpu.vector_store %arg15[%swap3A, %swap3A_82], %add3A_81 {strides = array<i32>} : memref<1024x1xf32, #tpu.memory_space<vmem>>, vector<1024x1xf32>,
    return
  }
  func.func @transform_0(%arg0: i32) -> (i32, i32) {
    %c0_i32 = arith.constant 0 : i32
    %c0_i32_0 = arith.constant 0 : i32
    %c0_i32_1 = arith.constant 0 : i32
    return %c0_i32, %c0_i32_0 : i32, i32
  }
  func.func @transform_1(%arg0: i32) -> (i32, i32) {
    %c0_i32 = arith.constant 0 : i32
    %c0_i32_0 = arith.constant 0 : i32
    %c0_i32_1 = arith.constant 0 : i32
    return %c0_i32, %c0_i32_0 : i32, i32
  }
  func.func @transform_2(%arg0: i32) -> (i32, i32) {
    %c0_i32 = arith.constant 0 : i32
    %c0_i32_0 = arith.constant 0 : i32
    %c0_i32_1 = arith.constant 0 : i32
    return %c0_i32, %c0_i32_0 : i32, i32
  }
  func.func @transform_3(%arg0: i32) -> (i32, i32) {
    %c0_i32 = arith.constant 0 : i32
    %c0_i32_0 = arith.constant 0 : i32
    %c0_i32_1 = arith.constant 0 : i32
    return %c0_i32, %c0_i32_0 : i32, i32
  }
  func.func @transform_4(%arg0: i32) -> (i32, i32) {
    %c0_i32 = arith.constant 0 : i32
    %c0_i32_0 = arith.constant 0 : i32
    %c0_i32_1 = arith.constant 0 : i32
    return %c0_i32, %c0_i32_0 : i32, i32
  }
  func.func @transform_5(%arg0: i32) -> (i32, i32) {
    %c0_i32 = arith.constant 0 : i32
    %c0_i32_0 = arith.constant 0 : i32
    %c0_i32_1 = arith.constant 0 : i32
    return %c0_i32, %c0_i32_0 : i32, i32
  }
  func.func @transform_6(%arg0: i32) -> (i32, i32) {
    %c0_i32 = arith.constant 0 : i32
    %c0_i32_0 = arith.constant 0 : i32
    %c0_i32_1 = arith.constant 0 : i32
    return %c0_i32, %c0_i32_0 : i32, i32
  }
  func.func @transform_7(%arg0: i32) -> (i32, i32) {
    %c0_i32 = arith.constant 0 : i32
    %c0_i32_0 = arith.constant 0 : i32
    %c0_i32_1 = arith.constant 0 : i32
    return %c0_i32, %c0_i32_0 : i32, i32
  }
  func.func @transform_8(%arg0: i32) -> (i32, i32) {
    %c0_i32 = arith.constant 0 : i32
    %c0_i32_0 = arith.constant 0 : i32
    %c0_i32_1 = arith.constant 0 : i32
    return %c0_i32, %c0_i32_0 : i32, i32
  }
  func.func @transform_9(%arg0: i32) -> (i32, i32) {
    %c0_i32 = arith.constant 0 : i32
    %c0_i32_0 = arith.constant 0 : i32
    %c0_i32_1 = arith.constant 0 : i32
    return %c0_i32, %c0_i32_0 : i32, i32
  }
  func.func @transform_10(%arg0: i32) -> (i32, i32) {
    %c0_i32 = arith.constant 0 : i32
    %c0_i32_0 = arith.constant 0 : i32
    %c0_i32_1 = arith.constant 0 : i32
    return %c0_i32, %c0_i32_0 : i32, i32
  }
  func.func @transform_11(%arg0: i32) -> (i32, i32) {
    %c0_i32 = arith.constant 0 : i32
    %c0_i32_0 = arith.constant 0 : i32
    %c0_i32_1 = arith.constant 0 : i32
    return %c0_i32, %c0_i32_0 : i32, i32
  }
  func.func @transform_12(%arg0: i32) -> (i32, i32) {
    %c0_i32 = arith.constant 0 : i32
    %c0_i32_0 = arith.constant 0 : i32
    %c0_i32_1 = arith.constant 0 : i32
    return %c0_i32, %c0_i32_0 : i32, i32
  }
  func.func @transform_13(%arg0: i32) -> (i32, i32) {
    %c0_i32 = arith.constant 0 : i32
    %c0_i32_0 = arith.constant 0 : i32
    %c0_i32_1 = arith.constant 0 : i32
    return %c0_i32, %c0_i32_0 : i32, i32
  }
  func.func @transform_14(%arg0: i32) -> (i32, i32) {
    %c0_i32 = arith.constant 0 : i32
    %c0_i32_0 = arith.constant 0 : i32
    %c0_i32_1 = arith.constant 0 : i32
    return %c0_i32, %c0_i32_0 : i32, i32
  }
}

</mosaic_0001>

<sc_bundles>
// kernel: kernel.4.cloned.1.call-start
scs
__scs_entry_jumppad:
0x0: {  	(pc) =	sbr.rel $0x88, $3  }
0x1: {  	(tag) =	ssettag $0x0;
	lr =	simm.s32 $0x1  }
0x2: {  	[smem:$0x3F94] =	sst lr;
	_ =	strace $0xD0000000  }
0x3: {  	_ = 	snop  }
0x4: {  	_ = 	snop  }
0x5: {  	_ = 	snop  }
0x6: {  	_ = 	snop  }
0x7: {  	_ = 	snop  }
__scs_overlays_trampoline_lowered:
0x8: {  	[smem:$0x3FA3] =	sst s0  }
0x9: {  	[smem:$0x3FA4] =	sst s1  }
0xa: {  	[smem:$0x3FA5] =	sst s2  }
0xb: {  	[smem:$0x3FA6] =	sst s3  }
0xc: {  	[smem:$0x3FA7] =	sst s4  }
0xd: {  	[smem:$0x3FA8] =	sst s5  }
0xe: {  	[smem:$0x3FA9] =	sst s6  }
0xf: {  	[smem:$0x3FAA] =	sst s7  }
0x10: {  	[smem:$0x3FAB] =	sst s8  }
0x11: {  	[smem:$0x3FAC] =	sst s9;
	s0 =	simm.s32 @!p0 $0x0  }
0x12: {  	s1 =	sld [smem:$0x3F92];
	s0 =	simm.s32 @p0 $0x1  }
0x13: {  	[smem:$0x3FAD] =	sst s0;
	s0 =	simm.s32 @!p1 $0x0  }
0x14: {  	s2 =	sld [smem:$0x3F91];
	s0 =	simm.s32 @p1 $0x1  }
0x15: {  	[smem:$0x3FAE] =	sst s0;
	s0 =	simm.s32 @!p2 $0x0  }
0x16: {  	s3 =	sld [smem:$0x3FDB];
	s0 =	simm.s32 @p2 $0x1  }
0x17: {  	s4 =	simm.s32 $0x1BF5;
	[smem:$0x3FB0] =	sst s0  }
0x18: {  	s0 =	sld [smem:$0x3F93];
	_ =	swait.ge [sflag:s4], $0x0  }
0x19: {  	s7 =	sld [smem:$0x3F94]  }
0x1a: {  	s8 =	sadd.s32 $0xFFFFE003, lr  }
0x1b: {  	s9 =	sadd.s32 $0xFFFFFEF7, lr;
	s5 =	simm.s32 $0xFFFFFFFF;
	p2 =	slt.u32 s8, $0xFFFFF086  }
0x1c: {  	p1 =	slt.u32 s9, $0xF7A;
	s5 =	simm.s32 @!p2 $0x0  }
0x1d: {  	s5 =	simm.s32 @p1 $0x1;
	p0 =	seq.s32 s7, s2  }
0x1e: {  	s7 =	smul.u32 @!p0 $0xF7A, s2;
	p2 =	seq.s32 @!p0 s5, $0x0  }
0x1f: {  	s9 =	smul.u32 $0xF7A, s1;
	s8 =	simm.s32 @!p0 $0x1BF5;
	p2 =	por !p2, p0  }
0x20: {  	[sflag:s8] =	ssyncset.s32 @!p0 $0xFFFFF086;
	s6 =	sadd.s32 @!p0 s3, s7;
	s7 =	simm.s32 @!p0 $0x108  }
0x21: {  	s3 =	sadd.s32 s3, s9;
	s6 =	sadd.s32 @!p0 $0x88, s6;
	s7 =	simm.s32 @p2 $0x1082  }
0x22: {  	[simem:s7], [sflag:s8] =	dma.local @!p0 [hbm:s6], $0xF7A  }
0x23: {  	s9 =	sor.u32 $0xD0000000, s2;
	s6 =	simm.s32 $0x108;
	_ =	swait.ge @!p0 [sflag:s8], $0x0  }
0x24: {  	s3 =	sadd.s32 $0x88, s3;
	s6 =	simm.s32 @!p1 $0x1082;
	[sflag:s4] =	ssyncset.s32 $0xFFFFF086  }
0x25: {  	[simem:s6], [sflag:s4] =	dma.local [hbm:s3], $0xF7A  }
0x26: {  	[smem:$0x3F94] =	sst s1;
	(tag) =	ssettag s2;
	_ =	strace s9  }
0x27: {  	s1 =	sld [smem:$0x3FA4]  }
0x28: {  	s2 =	sld [smem:$0x3FA5]  }
0x29: {  	s4 =	sld [smem:$0x3FA7]  }
0x2a: {  	p0 =	seq.s32 s5, $0x0;
	s5 =	sld [smem:$0x3FA8]  }
0x2b: {  	s6 =	sld [smem:$0x3FA9]  }
0x2c: {  	s7 =	sld [smem:$0x3FAA]  }
0x2d: {  	s3 =	simm.s32 $0x108;
	s8 =	sld [smem:$0x3FAB]  }
0x2e: {  	s3 =	simm.s32 @!p0 $0x1082;
	s9 =	sld [smem:$0x3FAC]  }
0x2f: {  	lr =	sadd.s32 s0, s3;
	s0 =	sld [smem:$0x3FA3]  }
0x30: {  	s3 =	sld [smem:$0x3FA6]  }
0x31: {  	[smem:$0x3FAF] =	sst s10  }
0x32: {  	s10 =	sld [smem:$0x3FAD];
	_ =	sdelay $0x3  }
0x33: {  	p0 =	seq.s32 s10, $0x1;
	s10 =	sld [smem:$0x3FAF];
	_ =	sdelay $0x3  }
0x34: {  	[smem:$0x3FAF] =	sst s10  }
0x35: {  	s10 =	sld [smem:$0x3FAE];
	_ =	sdelay $0x3  }
0x36: {  	p1 =	seq.s32 s10, $0x1;
	s10 =	sld [smem:$0x3FAF];
	_ =	sdelay $0x3  }
0x37: {  	[smem:$0x3FAF] =	sst s10  }
0x38: {  	s10 =	sld [smem:$0x3FB0]  }
0x39: {  	_ = 	snop;
	(pc) =	sbr.ind lr, $3  }
0x3a: {  	_ = 	snop  }
0x3b: {  	_ = 	snop  }
0x3c: {  	p2 =	seq.s32 s10, $0x1;
	s10 =	sld [smem:$0x3FAF]  }
0x3d: {  	_ =	shalt  }
0x3e: {  	_ =	shalt  }
0x3f: {  	_ =	shalt  }
0x40: {  	_ =	shalt  }
0x41: {  	_ =	shalt  }
0x42: {  	_ =	shalt  }
0x43: {  	_ =	shalt  }
0x44: {  	_ =	shalt  }
0x45: {  	_ =	shalt  }
0x46: {  	_ =	shalt  }
0x47: {  	_ =	shalt  }
0x48: {  	_ =	shalt  }
0x49: {  	_ =	shalt  }
0x4a: {  	_ =	shalt  }
0x4b: {  	_ =	shalt  }
0x4c: {  	_ =	shalt  }
0x4d: {  	_ =	shalt  }
0x4e: {  	_ =	shalt  }
0x4f: {  	_ =	shalt  }
0x50: {  	_ =	shalt  }
0x51: {  	_ =	shalt  }
0x52: {  	_ =	shalt  }
0x53: {  	_ =	shalt  }
0x54: {  	_ =	shalt  }
0x55: {  	_ =	shalt  }
0x56: {  	_ =	shalt  }
0x57: {  	_ =	shalt  }
0x58: {  	_ =	shalt  }
0x59: {  	_ =	shalt  }
0x5a: {  	_ =	shalt  }
0x5b: {  	_ =	shalt  }
0x5c: {  	_ =	shalt  }
0x5d: {  	_ =	shalt  }
0x5e: {  	_ =	shalt  }
0x5f: {  	_ =	shalt  }
0x60: {  	_ =	shalt  }
0x61: {  	_ =	shalt  }
0x62: {  	_ =	shalt  }
0x63: {  	_ =	shalt  }
0x64: {  	_ =	shalt  }
0x65: {  	_ =	shalt  }
0x66: {  	_ =	shalt  }
0x67: {  	_ =	shalt  }
0x68: {  	_ =	shalt  }
0x69: {  	_ =	shalt  }
0x6a: {  	_ =	shalt  }
0x6b: {  	_ =	shalt  }
0x6c: {  	_ =	shalt  }
0x6d: {  	_ =	shalt  }
0x6e: {  	_ =	shalt  }
0x6f: {  	_ =	shalt  }
0x70: {  	_ =	shalt  }
0x71: {  	_ =	shalt  }
0x72: {  	_ =	shalt  }
0x73: {  	_ =	shalt  }
0x74: {  	_ =	shalt  }
0x75: {  	_ =	shalt  }
0x76: {  	_ =	shalt  }
0x77: {  	_ =	shalt  }
0x78: {  	_ =	shalt  }
0x79: {  	_ =	shalt  }
0x7a: {  	_ =	shalt  }
0x7b: {  	_ =	shalt  }
0x7c: {  	_ =	shalt  }
0x7d: {  	_ =	shalt  }
0x7e: {  	_ =	shalt  }
0x7f: {  	_ =	shalt  }
0x80: {  	_ =	shalt  }
0x81: {  	_ =	shalt  }
0x82: {  	_ =	shalt  }
0x83: {  	_ =	shalt  }
0x84: {  	_ =	shalt  }
0x85: {  	_ =	shalt  }
0x86: {  	_ =	shalt  }
0x87: {  	_ =	shalt  }
.Lfunc_end0:
.L_simem_size_0:
called_computation_lowered:
.L_overlay_start_0:
0x88: {  	s2 =	sld [smem:$0x3FD9]  }
0x89: {  	s3 =	sld [smem:$0x3FFE];
	_ =	sdelay $0x1  }
0x8a: {  	s1 =	srdreg.scid  }
0x8b: {  	s0 =	sand.u32 $0x1, s1  }
0x8c: {  	s16 =	sshll.u32 s0, $0xA;
	s2 =	sadd.s32 s3, s2  }
0x8d: {  	s2 =	sadd.s32 s2, s16  }
0x8e: {  	[smem:$0x3FBB] =	sst s2  }
0x8f: {  	_ = 	snop  }
0x90: {  	(tm) =	ssettm $0x1  }
0x91: {  	s17 =	sld [smem:$0x3FFB];
	_ =	sdelay $0x3  }
0x92: {  	_ =	strace s17  }
0x93: {  	s2 =	sld [smem:$0x3FFC];
	_ =	sdelay $0x3  }
0x94: {  	_ =	strace s2  }
0x95: {  	s2 =	sld [smem:$0x3FFD];
	_ =	sdelay $0x3  }
0x96: {  	_ =	strace s2  }
0x97: {  	_ =	strace $0x8FFFFFFF  }
0x98: {  	s18 =	sld [smem:$0x3FDB];
	_ =	sdelay $0x1  }
0x99: {  	s19 =	simm.s32 $_scs_section_size  }
0x9a: {  	s4 =	simm.s32 $_size__tile_overlayer_lowered;
	s5 =	simm.s32 $_tile_overlayer_lowered  }
0x9b: {  	s22 =	simm.s32 $0x1BFF;
	s21 =	sshll.u32 s5, $0x1;
	s2 =	sadd.s32 s19, s18  }
0x9c: {  	s6 =	simm.s32 $0x0;
	s20 =	sshll.u32 s4, $0x1;
	s4 =	sadd.s32 s21, s2  }
0x9d: {  	[timem:s6], [sflag:s22] =	dma.local [hbm:s4], s20  }
0x9e: {  	_ =	swait.ge [sflag:s22], s20  }
0x9f: {  	s3 =	ssub.s32 $0x0, s20;
	[sflag:s22] =	ssyncset.done $0x0  }
0xa0: {  	[sflag:s22] =	ssyncadd.s32 s3;
	_ =	sdelay $0x1  }
0xa1: {  	s23 =	simm.s32 $0x1B8B  }
0xa2: {  	_ =	swait.ge [sflag:s23], $0x1  }
0xa3: {  	[sflag:s23] =	ssyncset.done $0x0  }
0xa4: {  	s25 =	simm.s32 $0x1B8E;
	s24 =	sld [smem:$0x3FFE];
	[sflag:s23] =	ssyncadd.s32 $0xFFFFFFFF  }
0xa5: {  	s26 =	simm.s32 $execute0_lowered;
	[smem:$0x3FD2] =	sst s25  }
0xa6: {  	s4 =	sshll.u32 s26, $0x1;
	_ =	strace $0x80000046;
	[dreg:$0x1] =	wrdreg $0xFFFFFFFF  }
0xa7: {  	s28 =	simm.s32 $_size_execute0_lowered;
	s2 =	sadd.s32 s2, s4;
	[dreg:$0x0] =	wrdreg $0x0  }
0xa8: {  	s4 =	sshll.u32 s28, $0x1;
	[dreg:$0x2] =	wrdreg s2  }
0xa9: {  	[dreg:$0x3] =	wrdreg s4  }
0xaa: {  	[dreg:$0x4] =	wrdreg $0xC0  }
0xab: {  	_ =	task [dreg:s6], $0x5FFFF  }
0xac: {  	[dreg:$0x1] =	wrdreg $0xFFFFFFFF  }
0xad: {  	[dreg:$0x0] =	wrdreg $0x60  }
0xae: {  	[dreg:$0x2] =	wrdreg s24  }
0xaf: {  	[dreg:$0x3] =	wrdreg $0x9  }
0xb0: {  	_ =	task.clear_ibuf [dreg:s6], $0x4FFFF;
	_ =	strace $0x90000046  }
0xb1: {  	s29 =	simm.s32 $0x9;
	_ =	strace $0x80000048  }
0xb2: {  	_ =	swait.ge [sflag:s29], $0x1  }
0xb3: {  	[sflag:s29] =	ssyncadd.s32 $0xFFFFFFFF  }
0xb4: {  	_ =	strace $0x90000048  }
0xb5: {  	_ =	sfence  }
0xb6: {  	s30 =	sld [smem:$0x0];
	_ =	sdelay $0x2  }
0xb7: {  	s31 =	sshll.u32 s1, $0xD;
	s1 =	sshrl.u32 s1, $0x2  }
0xb8: {  	s3 =	sand.u32 $0x4000, s31;
	s1 =	sadd.s32 s1, s30  }
0xb9: {  	s0 =	sor.u32 s3, s0;
	s1 =	sshll.u32 s1, $0x11  }
0xba: {  	s0 =	sor.u32 s1, s0  }
0xbb: {  	s0 =	sadd.s32 $0x8F2B, s0  }
0xbc: {  	[sflag:s0] =	ssyncadd.remote.s32 $0x1  }
0xbd: {  	_ =	sfence.sel $0xFFFF  }
0xbe: {  	[dreg:$0x0] =	wrdreg $0xFFFFFFFF;
	(pc) =	sbr.abs _section_cstart, $3  }
0xbf: {  	[dreg:$0x1] =	wrdreg $0xFFFFFFFF  }
0xc0: {  	_ =	task.clear_ibuf [dreg:s6], $0x2FFFF;
	_ =	strace $0x9FFFFFFF  }
0xc1: {  	(tm) =	ssettm $0x7FFFFFFF  }
tec
execute0_lowered:
.L_overlay_start_1:
0x0: {  	(tag) =	ssettag $0x1  }
0x1: {  	s1 =	srdreg.scid  }
0x2: {  	s4 =	sand.u32 $0x1, s1  }
0x3: {  	s5 =	sshll.u32 s4, $0x9;
	s4 =	ssub.s32 $0x2, s4  }
0x4: {  	s3 =	rddreg [dreg:$0x0];
	s31 =	sshrl.u32 s4, $0x1  }
0x5: {  	s0 =	rddreg [dreg:$0x1];
	s4 =	ssub.s32 s4, s31  }
0x6: {  	s1 =	stileid.u32;
	s3 =	sadd.s32 s5, s3;
	s5 =	smax.u32 s4, $0x1  }
0x7: {  	s2 =	simm.s32 $0x0;
	s6 =	sshll.u32 s1, $0xA;
	p0 =	sne.s32 s5, $0x1  }
.Ltmp0:
0x8: {  	[smem:$0x7FF] =	sst s2;
	s3 =	sadd.s32 s6, s3;
	(pc) =	sbr.rel @!p0 .LBB2_2-.Ltmp0, $4  }
0x9: {  	_ =	strace $0x80000047;
	s3 =	sadd.s32 $0x1A1A00, s3;
	s4 =	simm.s32 $0x1  }
0xa: {  	[hbm4b:s3+s2] =	stream.linear.scatter [tilespmem:s2], [sflag:$0x1], $0x1000, $0x38;
	[tilespmem:$0x1000] =	vst v63  }
0xb: {  	_ =	swait.ge [sflag:s4], $0x1000  }
0xc: {  	s5 =	sadd.s32 $0xFFFFFFFF, s5;
	[sflag:s4] =	ssyncset.done $0x0  }
.LBB2_1:
0xd: {  	p0 =	sne.s32 s5, $0x1;
	s5 =	sadd.s32 $0xFFFFFFFF, s5;
	[sflag:s4] =	ssyncadd.s32 $0xFFFFF000  }
.Ltmp1:
0xe: {  	(pc) =	sbr.rel @p0 .LBB2_1-.Ltmp1, $4  }
0xf: {  	_ = 	snop  }
0x10: {  	[hbm4b:s3+s2] =	stream.linear.scatter [tilespmem:s2], [sflag:$0x1], $0x1000, $0x38;
	[tilespmem:$0x1000] =	vst v63  }
0x11: {  	_ =	swait.ge [sflag:s4], $0x1000  }
0x12: {  	[sflag:s4] =	ssyncset.done $0x0  }
.LBB2_2:
0x13: {  	[sflag:s4] =	ssyncadd.s32 $0xFFFFF000  }
0x14: {  	_ =	sfence.sel $0x180000  }
0x15: {  	[bflag:$0x0] =	sbarrier.arrive $0xFFFF  }
0x16: {  	p0 =	sne.s32 s1, $0x0;
	_ =	strace $0x90000047  }
0x17: {  	s0 =	sadd.s32 @!p0 $0x100000, s0;
	[bflag:$0x2] =	sbarrier.arrive $0xFFFF  }
0x18: {  	[sflag:s0] =	ssyncadd.tile.s32 @!p0 $0x1;
	_ =	shalt  }
.Lfunc_end2:
_tile_overlayer_lowered:
.L_overlay_start_2:
0x19: {  	(tag) =	ssettag $0x2  }
0x1a: {  	s0 =	rddreg [dreg:$0x0];
	s2 =	stileid.u32  }
0x1b: {  	s1 =	rddreg [dreg:$0x1];
	p0 =	sne.s32 s2, $0x0  }
0x1c: {  	s3 =	rddreg [dreg:$0x2];
	[bflag:$0x3] =	sbarrier.arrive $0xFFFF;
	s2 =	simm.s32 @!p0 $0x1C01  }
0x1d: {  	[timem:s3], [sflag:s2] =	dma.local @!p0 [hbm:s0], s1  }
0x1e: {  	s0 =	simm.s32 @!p0 $0x1  }
0x1f: {  	_ =	swait.ge @!p0 [sflag:s0], s1  }
0x20: {  	s1 =	ssub.s32 @!p0 $0x0, s1;
	[sflag:s0] =	ssyncset.done @!p0 $0x0  }
0x21: {  	[sflag:s0] =	ssyncadd.s32 @!p0 s1  }
0x22: {  	[bflag:$0x3] =	sbarrier.arrive $0xFFFF  }
0x23: {  	_ =	shalt  }

</sc_bundles>
